<compile_context>
chip_gen: v7x
topology: tpu7x:2x2x1
jax: 0.10.2.dev20260603
libtpu: 0.0.44.dev20260713+nightly
codegen_flags: <defaults>
</compile_context>

<pallas_src>
import jax
import jax.numpy as jnp
from jax.experimental import pallas as pl
from jax.experimental.pallas import tpu as pltpu

MAX_SAMPLES_ = 1000000
N_DIM_ = 64
BATCH_ = 16384

WORDS = (MAX_SAMPLES_ * N_DIM_) // 2
NV = WORDS // 128
AW = (BATCH_ * N_DIM_) // 2
NA = AW // 128 + 1
BW = 2000
GRID = NV // BW
NA2P = ((NA + 2 * BW + 7) // 8) * 8 + 8


def _merge_body(scal_ref, a2p_ref, cache_ref, out_ref):
    g = pl.program_id(0)
    r0 = scal_ref[0]
    c0 = scal_ref[1]
    s = g * BW

    shift = s - r0
    shift = jnp.where(shift < 0, shift + NV, shift)
    shift2 = jnp.where(shift >= NV - BW, shift - NV, shift)
    overlap = shift2 < NA

    @pl.when(jnp.logical_not(overlap))
    def _copy():
        out_ref[...] = cache_ref[...]

    @pl.when(overlap)
    def _merge():
        start = jnp.clip(shift2 + BW, 0, NA2P - BW - 8)
        start8 = pl.multiple_of((start // 8) * 8, 8)
        rem = start - start8
        w8 = a2p_ref[pl.ds(start8, BW + 8), :]
        w = pltpu.roll(w8, (BW + 8) - rem, axis=0)[:BW, :]

        rr = jax.lax.broadcasted_iota(jnp.int32, (BW, 128), 0)
        ll = jax.lax.broadcasted_iota(jnp.int32, (BW, 128), 1)
        rowpos = shift2 + rr
        pos_w = rowpos * 128 + ll - c0
        mask = (pos_w >= 0) & (pos_w < AW)

        out_ref[...] = jnp.where(mask, w, cache_ref[...])


def kernel(activations, cache, n_valid, index):
    max_samples = cache.shape[0]
    batch = activations.shape[0]
    index = jnp.asarray(index) % max_samples
    new_n_valid = jnp.minimum(jnp.asarray(n_valid) + batch, max_samples)
    new_index = (index + batch) % max_samples

    w0 = index * (N_DIM_ // 2)
    r0 = (w0 // 128).astype(jnp.int32)
    c0 = (w0 % 128).astype(jnp.int32)
    scal = jnp.stack([r0, c0])

    acts_w = jax.lax.bitcast_convert_type(
        activations.astype(jnp.float16).reshape(AW, 2), jnp.int32)
    zhead = jnp.zeros((96,), jnp.int32)
    ztail = jnp.zeros((224,), jnp.int32)
    padded = jnp.concatenate([zhead, acts_w, ztail])
    a2 = jax.lax.dynamic_slice(padded, (96 - c0,), (NA * 128,)).reshape(NA, 128)
    a2p = jnp.concatenate(
        [jnp.zeros((BW, 128), jnp.int32), a2,
         jnp.zeros((NA2P - BW - NA, 128), jnp.int32)], axis=0)

    cache_w = jax.lax.bitcast_convert_type(
        cache.reshape(WORDS, 2), jnp.int32).reshape(NV, 128)

    out_w = pl.pallas_call(
        _merge_body,
        grid=(GRID,),
        in_specs=[
            pl.BlockSpec(memory_space=pltpu.SMEM),
            pl.BlockSpec((NA2P, 128), lambda g: (0, 0)),
            pl.BlockSpec((BW, 128), lambda g: (g, 0)),
        ],
        out_specs=pl.BlockSpec((BW, 128), lambda g: (g, 0)),
        out_shape=jax.ShapeDtypeStruct((NV, 128), jnp.int32),
    )(scal, a2p, cache_w)

    new_cache = jax.lax.bitcast_convert_type(
        out_w.reshape(WORDS), jnp.float16).reshape(max_samples, N_DIM_)
    return (new_cache, new_n_valid, new_index)

# --- scband reference (transcript-rebuilt; emitter-appended) ---
"""Pipeline reference for scband-activation-buffer-25520695673050 (READ-ONLY COPY).

The authoritative reference and input builder live on the scoring server;
editing this copy changes nothing except your own understanding.
"""

import jax, jax.numpy as jnp
import numpy as np

MAX_SAMPLES = 1000000
N_DIM = 64
BATCH = 16384

def setup_inputs(seed: int = 0) -> dict:
    key = jax.random.key(seed)
    k1 = jax.random.fold_in(key, 1)
    activations = jax.random.normal(k1, (BATCH, N_DIM), dtype=jnp.float32)
    cache = jnp.zeros((MAX_SAMPLES, N_DIM), dtype=jnp.float16)
    return {
        "activations": activations,
        "cache": cache,
        "n_valid": 500000,
        "index": 999990,
    }

def reference(activations, cache, n_valid, index):
    # Faithful port of ActivationBuffer.__call__: circular scatter-overwrite
    max_samples = cache.shape[0]
    batch = activations.shape[0]
    offsets = jnp.arange(batch)
    new_n_valid = jnp.minimum(jnp.asarray(n_valid) + batch, max_samples)
    indices = (jnp.asarray(index) + offsets) % max_samples
    new_index = (jnp.asarray(index) + batch) % max_samples
    new_cache = cache.at[indices].set(activations.astype(cache.dtype))
    return (new_cache, new_n_valid, new_index)

if __name__ == "__main__":
    import jax
    _d = setup_inputs()
    print(jax.jit(kernel)(*tuple(_d.values())))

</pallas_src>

<mosaic_0001>
module attributes {stable_mosaic.version = 14 : i64} {
  func.func @_merge_body(%arg0: i32, %arg1: memref<2xi32, #tpu.memory_space<smem>>, %arg2: memref<8112x128xi32, #tpu.memory_space<vmem>>, %arg3: memref<2000x128xi32, #tpu.memory_space<vmem>>, %arg4: memref<2000x128xi32, #tpu.memory_space<vmem>>) attributes {dimension_semantics = [#tpu.dimension_semantics<arbitrary>], iteration_bounds = array<i64: 125>, scalar_prefetch = 0 : i64, scratch_operands = 0 : i64, tpu.core_type = #tpu.core_type<tc>, window_params = [{transform_indices = @transform_0, window_bounds = array<i64: 2>}, {pipeline_mode = #tpu.pipeline_mode<synchronous>, transform_indices = @transform_1, window_bounds = array<i64: 8112, 128>}, {transform_indices = @transform_2, window_bounds = array<i64: 2000, 128>}, {transform_indices = @transform_3, window_bounds = array<i64: 2000, 128>}]} {
    %get3A = arith.constant 0 : index
    %get3A_0 = memref.load %arg1[%get3A] : memref<2xi32, #tpu.memory_space<smem>>
    %get3A_1 = arith.constant 1 : index
    %get3A_2 = memref.load %arg1[%get3A_1] : memref<2xi32, #tpu.memory_space<smem>>
    %mul3A = arith.constant 2000 : i32
    %mul3A_3 = arith.muli %arg0, %mul3A : i32
    %sub3A = arith.subi %mul3A_3, %get3A_0 : i32
    %lt3A = arith.constant 0 : i32
    %lt3A_4 = arith.cmpi slt, %sub3A, %lt3A : i32
    %add3A = arith.constant 250000 : i32
    %add3A_5 = arith.addi %sub3A, %add3A : i32
    %select_n3A = arith.select %lt3A_4, %add3A_5, %sub3A : i32
    %ge3A = arith.constant 248000 : i32
    %ge3A_6 = arith.cmpi sge, %select_n3A, %ge3A : i32
    %sub3A_7 = arith.constant 250000 : i32
    %sub3A_8 = arith.subi %select_n3A, %sub3A_7 : i32
    %select_n3A_9 = arith.select %ge3A_6, %sub3A_8, %select_n3A : i32
    %lt3A_10 = arith.constant 4097 : i32
    %lt3A_11 = arith.cmpi slt, %select_n3A_9, %lt3A_10 : i32
    %not3A = arith.constant true
    %not3A_12 = arith.xori %lt3A_11, %not3A : i1
    %convert_element_type3A = arith.extui %not3A_12 : i1 to i32
    %cond3A = arith.constant 0 : i32
    %cond3A_13 = arith.cmpi ne, %convert_element_type3A, %cond3A : i32
    scf.if %cond3A_13 {
      %get3A_17 = arith.constant 0 : index
      %get3A_18 = arith.constant 0 : index
      %get3A_19 = vector.load %arg3[%get3A_17, %get3A_18] : memref<2000x128xi32, #tpu.memory_space<vmem>>, vector<2000x128xi32>
      %swap3A = arith.constant 0 : index
      %swap3A_20 = arith.constant 0 : index
      %swap3A_21 = vector.load %arg4[%swap3A, %swap3A_20] : memref<2000x128xi32, #tpu.memory_space<vmem>>, vector<2000x128xi32>
      tpu.vector_store %arg4[%swap3A, %swap3A_20], %get3A_19 {strides = array<i32>} : memref<2000x128xi32, #tpu.memory_space<vmem>>, vector<2000x128xi32>,
    } else {
    }
    %convert_element_type3A_14 = arith.extui %lt3A_11 : i1 to i32
    %cond3A_15 = arith.constant 0 : i32
    %cond3A_16 = arith.cmpi ne, %convert_element_type3A_14, %cond3A_15 : i32
    scf.if %cond3A_16 {
      %add3A_17 = arith.constant 2000 : i32
      %add3A_18 = arith.addi %select_n3A_9, %add3A_17 : i32
      %jit3A = arith.constant 0 : i32
      %jit3A_19 = arith.constant 6104 : i32
      %max3A = arith.maxsi %jit3A, %add3A_18 : i32
      %min3A = arith.minsi %jit3A_19, %max3A : i32
      %jit3A_20 = arith.constant 8 : i32
      %div3A = arith.divsi %min3A, %jit3A_20 : i32
      %sign3A = arith.constant 0 : i32
      %sign3A_21 = arith.cmpi sgt, %min3A, %sign3A : i32
      %sign3A_22 = arith.extui %sign3A_21 : i1 to i32
      %sign3A_23 = arith.constant 0 : i32
      %sign3A_24 = arith.cmpi slt, %min3A, %sign3A_23 : i32
      %sign3A_25 = arith.extui %sign3A_24 : i1 to i32
      %sign3A_26 = arith.subi %sign3A_22, %sign3A_25 : i32
      %sign3A_27 = arith.constant 0 : i32
      %sign3A_28 = arith.cmpi sgt, %jit3A_20, %sign3A_27 : i32
      %sign3A_29 = arith.extui %sign3A_28 : i1 to i32
      %sign3A_30 = arith.constant 0 : i32
      %sign3A_31 = arith.cmpi slt, %jit3A_20, %sign3A_30 : i32
      %sign3A_32 = arith.extui %sign3A_31 : i1 to i32
      %sign3A_33 = arith.subi %sign3A_29, %sign3A_32 : i32
      %ne3A = arith.cmpi ne, %sign3A_26, %sign3A_33 : i32
      %rem3A = arith.remsi %min3A, %jit3A_20 : i32
      %ne3A_34 = arith.constant 0 : i32
      %ne3A_35 = arith.cmpi ne, %rem3A, %ne3A_34 : i32
      %and3A = arith.andi %ne3A, %ne3A_35 : i1
      %sub3A_36 = arith.constant 1 : i32
      %sub3A_37 = arith.subi %div3A, %sub3A_36 : i32
      %select_n3A_38 = arith.select %and3A, %sub3A_37, %div3A : i32
      %mul3A_39 = arith.constant 8 : i32
      %mul3A_40 = arith.muli %select_n3A_38, %mul3A_39 : i32
      %multiple_of3A = tpu.assume_multiple %mul3A_40, 8 : i32
      %sub3A_41 = arith.subi %min3A, %multiple_of3A : i32
      %get3A_42 = arith.index_cast %multiple_of3A : i32 to index
      %get3A_43 = arith.constant 0 : index
      %get3A_44 = vector.load %arg2[%get3A_42, %get3A_43] : memref<8112x128xi32, #tpu.memory_space<vmem>>, vector<2008x128xi32>
      %sub3A_45 = arith.constant 2008 : i32
      %sub3A_46 = arith.subi %sub3A_45, %sub3A_41 : i32
      %roll3A = tpu.dynamic_rotate %get3A_44 by %sub3A_46 dim 0 : vector<2008x128xi32>, i32 -> vector<2008x128xi32>
      %slice3A = vector.extract_strided_slice %roll3A {offsets = [0, 0], sizes = [2000, 128], strides = [1, 1]} : vector<2008x128xi32> to vector<2000x128xi32>
      %iota3A = tpu.iota {dimensions = array<i32: 0>} : vector<2000x128xi32>
      %iota3A_47 = tpu.iota {dimensions = array<i32: 1>} : vector<2000x128xi32>
      %add3A_48 = vector.broadcast %select_n3A_9 : i32 to vector<2000x128xi32>
      %add3A_49 = arith.addi %add3A_48, %iota3A : vector<2000x128xi32>
      %mul3A_50 = arith.constant 128 : i32
      %mul3A_51 = vector.broadcast %mul3A_50 : i32 to vector<2000x128xi32>
      %mul3A_52 = arith.muli %add3A_49, %mul3A_51 : vector<2000x128xi32>
      %add3A_53 = arith.addi %mul3A_52, %iota3A_47 : vector<2000x128xi32>
      %sub3A_54 = vector.broadcast %get3A_2 : i32 to vector<2000x128xi32>
      %sub3A_55 = arith.subi %add3A_53, %sub3A_54 : vector<2000x128xi32>
      %ge3A_56 = arith.constant 0 : i32
      %ge3A_57 = vector.broadcast %ge3A_56 : i32 to vector<2000x128xi32>
      %ge3A_58 = arith.cmpi sge, %sub3A_55, %ge3A_57 : vector<2000x128xi32>
      %lt3A_59 = arith.constant 524288 : i32
      %lt3A_60 = vector.broadcast %lt3A_59 : i32 to vector<2000x128xi32>
      %lt3A_61 = arith.cmpi slt, %sub3A_55, %lt3A_60 : vector<2000x128xi32>
      %and3A_62 = arith.andi %ge3A_58, %lt3A_61 : vector<2000x128xi1>
      %get3A_63 = arith.constant 0 : index
      %get3A_64 = arith.constant 0 : index
      %get3A_65 = vector.load %arg3[%get3A_63, %get3A_64] : memref<2000x128xi32, #tpu.memory_space<vmem>>, vector<2000x128xi32>
      %select_n3A_66 = arith.select %and3A_62, %slice3A, %get3A_65 : vector<2000x128xi1>, vector<2000x128xi32>
      %swap3A = arith.constant 0 : index
      %swap3A_67 = arith.constant 0 : index
      %swap3A_68 = vector.load %arg4[%swap3A, %swap3A_67] : memref<2000x128xi32, #tpu.memory_space<vmem>>, vector<2000x128xi32>
      tpu.vector_store %arg4[%swap3A, %swap3A_67], %select_n3A_66 {strides = array<i32>} : memref<2000x128xi32, #tpu.memory_space<vmem>>, vector<2000x128xi32>,
    } else {
    }
    return
  }
  func.func @transform_0(%arg0: i32) -> i32 {
    %c0_i32 = arith.constant 0 : i32
    %c0_i32_0 = arith.constant 0 : i32
    return %c0_i32 : i32
  }
  func.func @transform_1(%arg0: i32) -> (i32, i32) {
    %c0_i32 = arith.constant 0 : i32
    %c0_i32_0 = arith.constant 0 : i32
    %c0_i32_1 = arith.constant 0 : i32
    return %c0_i32, %c0_i32_0 : i32, i32
  }
  func.func @transform_2(%arg0: i32) -> (i32, i32) {
    %c0_i32 = arith.constant 0 : i32
    %c0_i32_0 = arith.constant 0 : i32
    return %arg0, %c0_i32 : i32, i32
  }
  func.func @transform_3(%arg0: i32) -> (i32, i32) {
    %c0_i32 = arith.constant 0 : i32
    %c0_i32_0 = arith.constant 0 : i32
    return %arg0, %c0_i32 : i32, i32
  }
}

</mosaic_0001>

<sc_bundles>
// kernel: sparse-core-data-format-call.1.cloned.1.call-start
scs
called_computation.1_lowered:
.L_overlay_start_0:
0x0: {  	s1 =	sld [smem:$0x3FD9]  }
0x1: {  	s2 =	sld [smem:$0x3FFE];
	_ =	sdelay $0x1  }
0x2: {  	s3 =	srdreg.scid  }
0x3: {  	s0 =	sand.u32 $0x1, s3  }
0x4: {  	s17 =	sshll.u32 s0, $0xA;
	s1 =	sadd.s32 s2, s1  }
0x5: {  	s1 =	sadd.s32 s1, s17  }
0x6: {  	[smem:$0x3FC4] =	sst s1  }
0x7: {  	_ = 	snop  }
0x8: {  	(tm) =	ssettm $0x1  }
0x9: {  	s18 =	sld [smem:$0x3FFB];
	_ =	sdelay $0x3  }
0xa: {  	_ =	strace s18  }
0xb: {  	s1 =	sld [smem:$0x3FFC];
	_ =	sdelay $0x3  }
0xc: {  	_ =	strace s1  }
0xd: {  	s1 =	sld [smem:$0x3FFD];
	_ =	sdelay $0x3  }
0xe: {  	_ =	strace s1  }
0xf: {  	_ =	strace $0x8FFFFFFF  }
0x10: {  	s19 =	sld [smem:$0x3FDB];
	_ =	sdelay $0x1  }
0x11: {  	s20 =	simm.s32 $_scs_section_size  }
0x12: {  	s4 =	simm.s32 $_size__tile_overlayer_lowered;
	s5 =	simm.s32 $_tile_overlayer_lowered  }
0x13: {  	s23 =	simm.s32 $0x1BFF;
	s22 =	sshll.u32 s5, $0x1;
	s1 =	sadd.s32 s20, s19  }
0x14: {  	s6 =	simm.s32 $0x0;
	s21 =	sshll.u32 s4, $0x1;
	s4 =	sadd.s32 s22, s1  }
0x15: {  	[timem:s6], [sflag:s23] =	dma.local [hbm:s4], s21  }
0x16: {  	_ =	swait.ge [sflag:s23], s21  }
0x17: {  	s2 =	ssub.s32 $0x0, s21;
	[sflag:s23] =	ssyncset.done $0x0  }
0x18: {  	[sflag:s23] =	ssyncadd.s32 s2;
	_ =	sdelay $0x1  }
0x19: {  	s24 =	simm.s32 $0x1B8B  }
0x1a: {  	_ =	swait.ge [sflag:s24], $0x1  }
0x1b: {  	[sflag:s24] =	ssyncset.done $0x0  }
0x1c: {  	s26 =	simm.s32 $0x1B8E;
	s25 =	sld [smem:$0x3FFE];
	[sflag:s24] =	ssyncadd.s32 $0xFFFFFFFF  }
0x1d: {  	s27 =	simm.s32 $execute0_lowered;
	[smem:$0x3FD2] =	sst s26  }
0x1e: {  	s4 =	sshll.u32 s27, $0x1;
	_ =	strace $0x80000046;
	[dreg:$0x1] =	wrdreg $0xFFFFFFFF  }
0x1f: {  	s28 =	simm.s32 $_size_execute0_lowered;
	s1 =	sadd.s32 s1, s4;
	[dreg:$0x0] =	wrdreg $0x0  }
0x20: {  	s4 =	sshll.u32 s28, $0x1;
	[dreg:$0x2] =	wrdreg s1  }
0x21: {  	[dreg:$0x3] =	wrdreg s4  }
0x22: {  	[dreg:$0x4] =	wrdreg $0xC0  }
0x23: {  	_ =	task [dreg:s6], $0x5FFFF  }
0x24: {  	[dreg:$0x1] =	wrdreg $0xFFFFFFFF  }
0x25: {  	[dreg:$0x0] =	wrdreg $0x60  }
0x26: {  	[dreg:$0x2] =	wrdreg s25  }
0x27: {  	[dreg:$0x3] =	wrdreg $0x9  }
0x28: {  	_ =	task.clear_ibuf [dreg:s6], $0x4FFFF;
	_ =	strace $0x90000046  }
0x29: {  	s29 =	simm.s32 $0x9;
	_ =	strace $0x80000048  }
0x2a: {  	_ =	swait.ge [sflag:s29], $0x1  }
0x2b: {  	[sflag:s29] =	ssyncadd.s32 $0xFFFFFFFF  }
0x2c: {  	_ =	strace $0x90000048  }
0x2d: {  	_ =	sfence  }
0x2e: {  	s30 =	sld [smem:$0x0];
	_ =	sdelay $0x2  }
0x2f: {  	s31 =	sshll.u32 s3, $0xD;
	s3 =	sshrl.u32 s3, $0x2  }
0x30: {  	s2 =	sand.u32 $0x4000, s31;
	s1 =	sadd.s32 s3, s30  }
0x31: {  	s0 =	sor.u32 s2, s0;
	s1 =	sshll.u32 s1, $0x11  }
0x32: {  	s0 =	sor.u32 s1, s0  }
0x33: {  	s0 =	sadd.s32 $0x8F2B, s0  }
0x34: {  	[sflag:s0] =	ssyncadd.remote.s32 $0x1  }
0x35: {  	_ =	sfence.sel $0xFFFF  }
0x36: {  	[dreg:$0x0] =	wrdreg $0xFFFFFFFF;
	(pc) =	sbr.abs _section_cstart, $3  }
0x37: {  	[dreg:$0x1] =	wrdreg $0xFFFFFFFF  }
0x38: {  	_ =	task.clear_ibuf [dreg:s6], $0x2FFFF;
	_ =	strace $0x9FFFFFFF  }
0x39: {  	(tm) =	ssettm $0x7FFFFFFF  }
tec
execute0_lowered:
.L_overlay_start_1:
0x0: {  	(tag) =	ssettag $0x1  }
0x1: {  	s0 =	srdreg.scid  }
0x2: {  	s5 =	rddreg [dreg:$0x0];
	s1 =	stileid.u32;
	s4 =	simm.s32 $0x1  }
0x3: {  	s6 =	simm.s32 $0x2;
	s15 =	simm.s32 $0x0;
	p0 =	por $0x0, $0x0  }
0x4: {  	s8 =	simm.s32 $0x80;
	s14 =	simm.s32 $0x0;
	s2 =	sshll.u32 s0, $0x4  }
0x5: {  	s9 =	simm.s32 $0x0;
	s10 =	simm.s32 $0x0;
	s2 =	sand.u32 $0x10, s2  }
.Ltmp0:
0x6: {  	s12 =	simm.s32 $0x0;
	s3 =	sor.u32 s1, s2;
	(pc) =	sbr.rel .LBB1_1-.Ltmp0, $4  }
0x7: {  	s0 =	rddreg [dreg:$0x1];
	_ =	strace $0x80000047;
	s3 =	sshll.u32 s3, $0x7  }
0x8: {  	s13 =	simm.s32 $0x0;
	[sflag:s4] =	ssyncpa.u1 $0x0;
	s7 =	ssub.s32 $0xF4200, s3  }
0x9: {  	s2 =	sadd.s32 $0x600, s5;
	[sflag:s6] =	ssyncpa.u1 $0x0;
	s6 =	sshrl.u32 s7, $0xC  }
0xa: {  	s5 =	sadd.s32 $0x7A1A00, s5;
	s11 =	smov.u32 s3;
	s7 =	sadd.s32 $0x2, s6  }
.LBB1_5:
0xb: {  	p1 =	slt.u32 s13, $0x2  }
0xc: {  	s17 =	smov.u32 s15;
	p2 =	sgt.s32 @!p1 s15, $0xF41C0;
	s16 =	sshra.s32 @!p1 s15, $0x1F  }
0xd: {  	p3 =	sgt.s32 @!p1 s14, $0x40;
	s18 =	sshra.s32 @!p1 s14, $0x1F;
	p2 =	por !p2, p1  }
0xe: {  	s15 =	sand.u32 @!p1 s16, s15;
	p3 =	por !p3, p1;
	s16 =	smov.u32 s14  }
0xf: {  	s14 =	sand.u32 @!p1 s18, s14;
	s17 =	simm.s32 @p2 $0xF41C0;
	s16 =	simm.s32 @p3 $0x40  }
0x10: {  	s15 =	ssub.s32 @!p1 s17, s15;
	s14 =	ssub.s32 @!p1 s16, s14  }
0x11: {  	s18 =	smov.u32 s12;
	s16 =	sadd.s32 @!p1 $0xFFF0BE40, s15;
	s17 =	sadd.s32 @!p1 $0xFFFFFFC0, s14  }
0x12: {  	s15 =	ssub.s32 @!p1 $0xF4240, s15;
	p2 =	sgt.s32 @!p1 s16, $0x7F;
	p3 =	sgt.s32 @!p1 s17, $0x3F  }
0x13: {  	s14 =	ssub.s32 @!p1 $0x80, s14;
	p2 =	por !p2, p1;
	p3 =	por !p3, p1  }
0x14: {  	s16 =	sadd.s32 $0x1000, s11;
	s15 =	simm.s32 @!p2 $0x0;
	s14 =	simm.s32 @!p3 $0x0  }
0x15: {  	p2 =	sgt.s32 s16, $0xF423F;
	s14 =	smul.u32 @!p1 s14, s15;
	s15 =	sadd.s32 $0x40, s12  }
0x16: {  	s18 =	smov.u32 @p2 s15  }
0x17: {  	s16 =	smov.u32 @p2 s3;
	p2 =	sgt.s32 s18, $0x3F  }
0x18: {  	s18 =	simm.s32 @p2 $0x0;
	p2 =	sne.s32 s13, s7  }
.Ltmp1:
0x19: {  	p0 =	por !p0, !p0;
	s17 =	simm.s32 @!p1 $0x2;
	(pc) =	sbr.rel @!p2 .LBB1_6-.Ltmp1, $4  }
0x1a: {  	s15 =	smov.u32 s9;
	s9 =	smov.u32 s11;
	s14 =	sand.u32 @!p1 $0x3FFFFFFF, s14  }
0x1b: {  	s11 =	smov.u32 s16;
	_ =	swait.ge @!p1 [sflag:s17], s14;
	s19 =	ssub.s32 @!p1 $0x0, s14  }
0x1c: {  	s14 =	smov.u32 s10;
	s13 =	sadd.s32 $0x1, s13;
	[sflag:s17] =	ssyncset.done @!p1 $0x0  }
0x1d: {  	s10 =	smov.u32 s12;
	s12 =	smov.u32 s18;
	[sflag:s17] =	ssyncadd.s32 @!p1 s19  }
.LBB1_1:
0x1e: {  	p1 =	sgt.u32 s13, s6  }
0x1f: {  	s16 =	sshrl.u32 @!p1 s12, $0x3  }
0x20: {  	s17 =	sshll.u32 @!p1 s11, $0x3;
	s16 =	smul.u32 @!p1 $0x7A1400, s16  }
0x21: {  	s18 =	sshll.u32 @!p1 s12, $0x7;
	s17 =	sand.u32 @!p1 $0xFFFFFC00, s17  }
0x22: {  	s16 =	sadd.s32 @!p1 s16, s17;
	s17 =	sand.u32 @!p1 $0x380, s18  }
0x23: {  	s18 =	sand.u32 @!p1 $0x7F, s11;
	s16 =	sor.u32 @!p1 s17, s16  }
0x24: {  	s17 =	sor.u32 @!p1 s18, s16  }
0x25: {  	s18 =	smulhi.u32 @!p1 $0x218D6287, s17;
	_ =	sdelay $0x1  }
0x26: {  	s16 =	smulhi.u32 @!p1 $0x218D6287, s16;
	s18 =	sshrl.u32 @!p1 s18, $0x11  }
0x27: {  	s18 =	smul.u32 @!p1 $0xF4280, s18  }
0x28: {  	s19 =	sxor.u32 @!p1 $0xFFFFFFFF, s13;
	s16 =	sshrl.u32 @!p1 s16, $0x11  }
0x29: {  	s19 =	sshll.u32 @!p1 s19, $0xD;
	s16 =	sand.u32 @!p1 $0x3F, s16;
	s17 =	ssub.s32 @!p1 s17, s18  }
0x2a: {  	s16 =	smul.u32 @!p1 $0x1E850, s16;
	s18 =	sshrl.u32 @!p1 s17, $0x3;
	s17 =	sand.u32 @!p1 $0x7, s17  }
0x2b: {  	s19 =	sand.u32 @!p1 $0x2000, s19;
	s18 =	sadd.s32 @!p1 s2, s18;
	s17 =	sshll.u32 @!p1 s17, $0x12  }
0x2c: {  	s16 =	sadd.s32 @!p1 s16, s18;
	s17 =	sor.u32 @!p1 $0x400, s17;
	s18 =	simm.s32 @!p1 $0x7A1400  }
0x2d: {  	[tilespmem:s19], [sflag:$0x1] =	stream.strided.gather @!p1 [hbm4b:s16+s17], $0x2000, s18, s17, $0x38;
	[tilespmem:$0x8100] =	vst v63  }
0x2e: {  	p1 =	seq.s32 s13, $0x0  }
0x2f: {  	p2 =	sge.u32 @!p1 s13, s7  }
0x30: {  	p1 =	por p1, p2  }
.Ltmp2:
0x31: {  	_ = 	snop;
	(pc) =	sbr.rel @p1 .LBB1_5-.Ltmp2, $1  }
0x32: {  	_ =	sdelay $0x3  }
0x33: {  	s16 =	simm.s32 $0x1  }
0x34: {  	_ =	swait.ge [sflag:s4], $0x2000;
	s16 =	simm.s32 @!p0 $0x0  }
0x35: {  	[sflag:s4] =	ssyncset.done $0x0;
	s17 =	sshll.u32 s16, $0xD  }
0x36: {  	[sflag:s4] =	ssyncadd.s32 $0xFFFFE000;
	s17 =	sor.u32 $0x40, s17  }
0x37: {  	s16 =	smul.u32 $0x8200, s16;
	v0 =	vld [tilespmem:s17+$0x30]  }
0x38: {  	v1 =	vld [tilespmem:s17+$0xFFFFFFD0]  }
0x39: {  	s16 =	sshrl.u32 s16, $0x2;
	v5 =	vld [tilespmem:s17+$0xFFFFFFE0]  }
0x3a: {  	v6 =	vld [tilespmem:s17+$0xFFFFFFF0];
	s19 =	sor.u32 $0x4000, s16  }
0x3b: {  	s31 =	sand.u32 $0x1, s13;
	v4 =	vld [tilespmem:s17+$0x0];
	s18 =	sadd.s32 $0x0, s19  }
0x3c: {  	v3 =	vld [tilespmem:s17+$0x10];
	s16 =	smul.u32 $0x8200, s31;
	[tilespmem:s18+$0x1C70 ss:$0x41] =	vst.msk $0xffff, v0  }
0x3d: {  	v2 =	vld [tilespmem:s17+$0x20];
	[tilespmem:s18+$0x410 ss:$0x41] =	vst.msk $0xffff, v1  }
0x3e: {  	s16 =	sshrl.u32 s16, $0x2;
	v1 =	vld [tilespmem:s17+$0xFFFFFFC0];
	[tilespmem:s18+$0x820 ss:$0x41] =	vst.msk $0xffff, v5;
	s17 =	sadd.s32 $0x80, s17  }
0x3f: {  	s20 =	simm.s32 $0x4;
	s21 =	simm.s32 $0x8;
	s16 =	sor.u32 $0x4000, s16;
	[tilespmem:s18+$0xC30 ss:$0x41] =	vst.msk $0xffff, v6;
	v0 =	vld [tilespmem:s17+$0x30]  }
.LBB1_3:
0x40: {  	p1 =	sne.s32 s21, $0xFC;
	v5 =	vld [tilespmem:s17+$0xFFFFFFD0];
	[tilespmem:s18+$0x1040 ss:$0x41] =	vst.msk $0xffff, v4  }
0x41: {  	v6 =	vld [tilespmem:s17+$0xFFFFFFE0];
	[tilespmem:s18+$0x1450 ss:$0x41] =	vst.msk $0xffff, v3  }
0x42: {  	s22 =	sshra.s32 s20, $0x2;
	s20 =	smov.u32 s21;
	v7 =	vld [tilespmem:s17+$0xFFFFFFF0];
	[tilespmem:s18+$0x1860 ss:$0x41] =	vst.msk $0xffff, v2  }
.Ltmp3:
0x43: {  	v4 =	vld [tilespmem:s17+$0x0];
	[tilespmem:s18+$0x0 ss:$0x41] =	vst.msk $0xffff, v1;
	s18 =	sadd.s32 s22, s19;
	(pc) =	sbr.rel @p1 .LBB1_3-.Ltmp3, $4  }
0x44: {  	v3 =	vld [tilespmem:s17+$0x10];
	[tilespmem:s18+$0x1C70 ss:$0x41] =	vst.msk $0xffff, v0  }
0x45: {  	[tilespmem:s18+$0x410 ss:$0x41] =	vst.msk $0xffff, v5;
	v2 =	vld [tilespmem:s17+$0x20]  }
0x46: {  	v1 =	vld [tilespmem:s17+$0xFFFFFFC0];
	[tilespmem:s18+$0x820 ss:$0x41] =	vst.msk $0xffff, v6;
	s17 =	sadd.s32 $0x80, s17  }
0x47: {  	s21 =	sadd.s32 $0x4, s21;
	v0 =	vld [tilespmem:s17+$0x30];
	[tilespmem:s18+$0xC30 ss:$0x41] =	vst.msk $0xffff, v7  }
0x48: {  	s21 =	sshll.u32 s9, $0x7;
	s22 =	sshll.u32 s10, $0x3;
	s20 =	sshra.s32 s20, $0x2  }
0x49: {  	p1 =	sgt.s32 s9, $0xF41C0;
	s30 =	sshra.s32 s9, $0x1F;
	s25 =	sshra.s32 s10, $0x1F  }
0x4a: {  	v5 =	vld [tilespmem:s17+$0xFFFFFFD0];
	s28 =	sshrl.u32 s10, $0x3;
	s23 =	sand.u32 $0xFFFFFC00, s21;
	s22 =	sand.u32 $0xFFFFFC00, s22  }
0x4b: {  	[tilespmem:s18+$0x1040 ss:$0x41] =	vst.msk $0xffff, v4;
	v58 =	vld [tilespmem:s17+$0xFFFFFFE0];
	s21 =	sand.u32 $0x380, s21;
	s19 =	sadd.s32 s20, s19;
	s22 =	sadd.s32 s22, s23  }
0x4c: {  	v59 =	vld [tilespmem:s17+$0xFFFFFFF0];
	[tilespmem:s18+$0x1450 ss:$0x41] =	vst.msk $0xffff, v3;
	s29 =	sor.u32 s21, s22;
	s21 =	smov.u32 s9;
	s22 =	sand.u32 s30, s9  }
0x4d: {  	v60 =	vld [tilespmem:s17+$0x0];
	[tilespmem:s18+$0x1860 ss:$0x41] =	vst.msk $0xffff, v2;
	s30 =	sand.u32 $0x7, s10;
	s20 =	sshrl.u32 s29, $0x7;
	s21 =	simm.s32 @!p1 $0xF41C0  }
0x4e: {  	v61 =	vld [tilespmem:s17+$0x10];
	[tilespmem:s18+$0x0 ss:$0x41] =	vst.msk $0xffff, v1;
	p1 =	sgt.s32 s10, $0x40;
	s24 =	ssub.s32 s21, s22;
	s21 =	smov.u32 s10  }
0x4f: {  	v62 =	vld [tilespmem:s17+$0x20];
	[tilespmem:s19+$0x1C70 ss:$0x41] =	vst.msk $0xffff, v0;
	s31 =	smulhi.u32 $0x218DEF5, s20;
	s22 =	sand.u32 s25, s10;
	s21 =	simm.s32 @!p1 $0x40  }
0x50: {  	v63 =	vld [tilespmem:s17+$0xFFFFFFC0];
	[tilespmem:s19+$0x410 ss:$0x41] =	vst.msk $0xffff, v5;
	s26 =	sadd.s32 $0xFFF0BE40, s24;
	s17 =	ssub.s32 $0xF4240, s24;
	s21 =	ssub.s32 s21, s22  }
0x51: {  	[tilespmem:s19+$0x820 ss:$0x41] =	vst.msk $0xffff, v58;
	s23 =	sshrl.u32 s31, $0xD;
	p1 =	sgt.s32 s26, $0x7F;
	s27 =	sadd.s32 $0xFFFFFFC0, s21  }
0x52: {  	[tilespmem:s19+$0xC30 ss:$0x41] =	vst.msk $0xffff, v59;
	s23 =	smul.u32 $0xF4240, s23;
	s18 =	ssub.s32 $0x80, s21;
	p2 =	sgt.s32 s27, $0x3F  }
.Ltmp4:
0x53: {  	[tilespmem:s19+$0x1040 ss:$0x41] =	vst.msk $0xffff, v60;
	s17 =	simm.s32 @p1 $0x0;
	s18 =	simm.s32 @p2 $0x0;
	(pc) =	sbr.rel .LBB1_5-.Ltmp4, $4  }
0x54: {  	s29 =	sand.u32 $0xF, s28;
	[tilespmem:s19+$0x1450 ss:$0x41] =	vst.msk $0xffff, v61;
	s20 =	ssub.s32 s20, s23;
	s17 =	smul.u32 s18, s17  }
0x55: {  	[tilespmem:s19+$0x1860 ss:$0x41] =	vst.msk $0xffff, v62;
	s21 =	sshll.u32 s30, $0x12;
	s20 =	sshll.u32 s20, $0x4;
	s18 =	sadd.s32 s5, s29  }
0x56: {  	[tilespmem:s19+$0x0 ss:$0x41] =	vst.msk $0xffff, v63;
	s31 =	sor.u32 $0x40, s21;
	s18 =	sadd.s32 s20, s18;
	s17 =	sand.u32 $0x3FFFFFFF, s17  }
0x57: {  	[hbm4b:s18+s31] =	stream.strided.scatter [tilespmem:s16], [sflag:$0x2], s17, s8, s31, $0x18;
	[tilespmem:$0x8100] =	vst v63  }
.LBB1_6:
0x58: {  	_ =	sfence.sel $0x180000  }
0x59: {  	s2 =	simm.s32 $0x1;
	[bflag:$0x0] =	sbarrier.arrive $0xFFFF  }
0x5a: {  	s31 =	simm.s32 $0x2;
	[sflag:s2] =	ssyncpa.u1 $0x1  }
0x5b: {  	[sflag:s31] =	ssyncpa.u1 $0x1  }
0x5c: {  	p0 =	sne.s32 s1, $0x0;
	_ =	strace $0x90000047  }
0x5d: {  	s0 =	sadd.s32 @!p0 $0x100000, s0;
	[bflag:$0x2] =	sbarrier.arrive $0xFFFF  }
0x5e: {  	[sflag:s0] =	ssyncadd.tile.s32 @!p0 $0x1;
	_ =	shalt  }
.Lfunc_end1:
_tile_overlayer_lowered:
.L_overlay_start_2:
0x5f: {  	(tag) =	ssettag $0x2  }
0x60: {  	s0 =	rddreg [dreg:$0x0];
	s2 =	stileid.u32  }
0x61: {  	s1 =	rddreg [dreg:$0x1];
	p0 =	sne.s32 s2, $0x0  }
0x62: {  	s3 =	rddreg [dreg:$0x2];
	[bflag:$0x3] =	sbarrier.arrive $0xFFFF;
	s2 =	simm.s32 @!p0 $0x1C01  }
0x63: {  	[timem:s3], [sflag:s2] =	dma.local @!p0 [hbm:s0], s1  }
0x64: {  	s0 =	simm.s32 @!p0 $0x1  }
0x65: {  	_ =	swait.ge @!p0 [sflag:s0], s1  }
0x66: {  	s1 =	ssub.s32 @!p0 $0x0, s1;
	[sflag:s0] =	ssyncset.done @!p0 $0x0  }
0x67: {  	[sflag:s0] =	ssyncadd.s32 @!p0 s1  }
0x68: {  	[bflag:$0x3] =	sbarrier.arrive $0xFFFF  }
0x69: {  	_ =	shalt  }

// kernel: sparse-core-data-format-call.cloned.1.call-start
scs
called_computation_lowered:
.L_overlay_start_0:
0x0: {  	s2 =	sld [smem:$0x3FD9]  }
0x1: {  	s3 =	sld [smem:$0x3FFE];
	_ =	sdelay $0x1  }
0x2: {  	s1 =	srdreg.scid  }
0x3: {  	s0 =	sand.u32 $0x1, s1  }
0x4: {  	s15 =	sshll.u32 s0, $0xA;
	s2 =	sadd.s32 s3, s2  }
0x5: {  	s2 =	sadd.s32 s2, s15  }
0x6: {  	[smem:$0x3FC4] =	sst s2  }
0x7: {  	_ = 	snop  }
0x8: {  	s2 =	sld [smem:$0x3FD0];
	_ =	sdelay $0x2  }
0x9: {  	s16 =	simm.s32 $0xA;
	s4 =	simm.s32 $0x10  }
0xa: {  	[smem:s4], [sflag:s16] =	dma.local [hbm:s2], $0x1  }
0xb: {  	_ =	swait.eq [sflag:s16], $0x1  }
0xc: {  	[sflag:s16] =	ssyncset.done $0x0  }
0xd: {  	[sflag:s16] =	ssyncadd.s32 $0xFFFFFFFF  }
0xe: {  	s17 =	sld [smem:$0x10];
	(tm) =	ssettm $0x1  }
0xf: {  	s18 =	sld [smem:$0x3FFB];
	_ =	sdelay $0x3  }
0x10: {  	_ =	strace s18  }
0x11: {  	s3 =	sld [smem:$0x3FFC];
	_ =	sdelay $0x3  }
0x12: {  	_ =	strace s3  }
0x13: {  	s3 =	sld [smem:$0x3FFD];
	_ =	sdelay $0x3  }
0x14: {  	_ =	strace s3  }
0x15: {  	_ =	strace $0x8FFFFFFF  }
0x16: {  	s19 =	sld [smem:$0x3FDB];
	_ =	sdelay $0x1  }
0x17: {  	s20 =	simm.s32 $_scs_section_size  }
0x18: {  	s5 =	simm.s32 $_size__tile_overlayer_lowered;
	s6 =	simm.s32 $_tile_overlayer_lowered  }
0x19: {  	s23 =	simm.s32 $0x1BFF;
	s22 =	sshll.u32 s6, $0x1;
	s3 =	sadd.s32 s20, s19  }
0x1a: {  	s7 =	simm.s32 $0x0;
	s21 =	sshll.u32 s5, $0x1;
	s5 =	sadd.s32 s22, s3  }
0x1b: {  	[timem:s7], [sflag:s23] =	dma.local [hbm:s5], s21  }
0x1c: {  	_ =	swait.ge [sflag:s23], s21  }
0x1d: {  	s4 =	ssub.s32 $0x0, s21;
	[sflag:s23] =	ssyncset.done $0x0  }
0x1e: {  	[sflag:s23] =	ssyncadd.s32 s4;
	_ =	sdelay $0x1  }
0x1f: {  	s24 =	simm.s32 $0x1B8B  }
0x20: {  	_ =	swait.ge [sflag:s24], $0x1  }
0x21: {  	[sflag:s24] =	ssyncset.done $0x0  }
0x22: {  	s26 =	simm.s32 $0x1B8E;
	s25 =	sld [smem:$0x3FFE];
	[sflag:s24] =	ssyncadd.s32 $0xFFFFFFFF  }
0x23: {  	s27 =	simm.s32 $execute0_lowered;
	[smem:$0x3FD2] =	sst s26  }
0x24: {  	s5 =	sshll.u32 s27, $0x1;
	_ =	strace $0x80000049;
	[dreg:$0x1] =	wrdreg $0xFFFFFFFF  }
0x25: {  	s28 =	simm.s32 $_size_execute0_lowered;
	s3 =	sadd.s32 s3, s5;
	[dreg:$0x0] =	wrdreg $0x0  }
0x26: {  	s5 =	sshll.u32 s28, $0x1;
	[dreg:$0x2] =	wrdreg s3  }
0x27: {  	[dreg:$0x3] =	wrdreg s5  }
0x28: {  	[dreg:$0x4] =	wrdreg $0xC0  }
0x29: {  	_ =	task [dreg:s7], $0x5FFFF  }
0x2a: {  	[dreg:$0x1] =	wrdreg $0xFFFFFFFF  }
0x2b: {  	[dreg:$0x0] =	wrdreg $0x60  }
0x2c: {  	[dreg:$0x2] =	wrdreg s25  }
0x2d: {  	[dreg:$0x3] =	wrdreg s17  }
0x2e: {  	[dreg:$0x4] =	wrdreg $0x9  }
0x2f: {  	_ =	task.clear_ibuf [dreg:s7], $0x5FFFF;
	_ =	strace $0x90000049  }
0x30: {  	s29 =	simm.s32 $0x9;
	_ =	strace $0x8000004B  }
0x31: {  	_ =	swait.ge [sflag:s29], $0x1  }
0x32: {  	[sflag:s29] =	ssyncadd.s32 $0xFFFFFFFF  }
0x33: {  	_ =	strace $0x9000004B  }
0x34: {  	_ =	sfence  }
0x35: {  	s30 =	sld [smem:$0x0];
	_ =	sdelay $0x2  }
0x36: {  	s31 =	sshll.u32 s1, $0xD;
	s1 =	sshrl.u32 s1, $0x2  }
0x37: {  	s3 =	sand.u32 $0x4000, s31;
	s1 =	sadd.s32 s1, s30  }
0x38: {  	s0 =	sor.u32 s3, s0;
	s1 =	sshll.u32 s1, $0x11  }
0x39: {  	s0 =	sor.u32 s1, s0  }
0x3a: {  	s0 =	sadd.s32 $0x8F2B, s0  }
0x3b: {  	[sflag:s0] =	ssyncadd.remote.s32 $0x1  }
0x3c: {  	_ =	sfence.sel $0xFFFF  }
0x3d: {  	[dreg:$0x0] =	wrdreg $0xFFFFFFFF;
	(pc) =	sbr.abs _section_cstart, $3  }
0x3e: {  	[dreg:$0x1] =	wrdreg $0xFFFFFFFF  }
0x3f: {  	_ =	task.clear_ibuf [dreg:s7], $0x2FFFF;
	_ =	strace $0x9FFFFFFF  }
0x40: {  	(tm) =	ssettm $0x7FFFFFFF  }
0x41: {  	_ =	shalt  }
tec
execute0_lowered:
.L_overlay_start_1:
0x0: {  	(tag) =	ssettag $0x1  }
0x1: {  	s4 =	rddreg [dreg:$0x0]  }
0x2: {  	s0 =	srdreg.scid;
	s2 =	rddreg [dreg:$0x1]  }
0x3: {  	s1 =	stileid.u32;
	s5 =	simm.s32 $0x1;
	s0 =	sshll.u32 s0, $0x4  }
0x4: {  	s7 =	simm.s32 $0x2;
	s11 =	simm.s32 $0x0;
	s3 =	sand.u32 $0x10, s0  }
.Ltmp0:
0x5: {  	p0 =	por $0x0, $0x0;
	s3 =	sor.u32 s1, s3;
	(pc) =	sbr.rel .LBB1_1-.Ltmp0, $4  }
0x6: {  	s8 =	simm.s32 $0x7A1400;
	s10 =	simm.s32 $0x0;
	s3 =	sshll.u32 s3, $0x7  }
0x7: {  	s0 =	rddreg [dreg:$0x2];
	_ =	strace $0x8000004A;
	s6 =	ssub.s32 $0xF4200, s3  }
0x8: {  	s4 =	sadd.s32 $0x3D1000, s4;
	[sflag:s5] =	ssyncpa.u1 $0x0;
	s6 =	sshrl.u32 s6, $0xC  }
0x9: {  	[sflag:s7] =	ssyncpa.u1 $0x0;
	s9 =	smov.u32 s3;
	s7 =	sadd.s32 $0x2, s6  }
.LBB1_5:
0xa: {  	s13 =	sadd.s32 $0x1000, s9  }
0xb: {  	p2 =	sgt.s32 s13, $0xF423F  }
0xc: {  	s13 =	smov.u32 @p2 s3;
	p2 =	sne.s32 s10, s7  }
.Ltmp1:
0xd: {  	p1 =	slt.u32 s10, $0x2;
	(pc) =	sbr.rel @!p2 .LBB1_6-.Ltmp1, $4  }
0xe: {  	s12 =	simm.s32 @!p1 $0x2  }
0xf: {  	s14 =	sadd.s32 $0x1, s10;
	_ =	swait.ge @!p1 [sflag:s12], $0x1000  }
0x10: {  	s11 =	smov.u32 s9;
	p0 =	por !p0, !p0;
	[sflag:s12] =	ssyncset.done @!p1 $0x0  }
0x11: {  	s10 =	smov.u32 s14;
	s9 =	smov.u32 s13;
	[sflag:s12] =	ssyncadd.s32 @!p1 $0xFFFFF000  }
.LBB1_1:
0x12: {  	p1 =	sgt.u32 s10, s6  }
0x13: {  	s13 =	smov.u32 s9;
	p2 =	sgt.s32 @!p1 s9, $0xF41C0  }
0x14: {  	s12 =	sand.u32 @!p1 $0x1FFFFFF, s9;
	s14 =	sshra.s32 @!p1 s9, $0x1F;
	p2 =	por !p2, p1  }
0x15: {  	s15 =	smulhi.u32 @!p1 $0x218DEF5, s12;
	s14 =	sand.u32 @!p1 s14, s9;
	s13 =	simm.s32 @p2 $0xF41C0  }
0x16: {  	s13 =	ssub.s32 @!p1 s13, s14  }
0x17: {  	s14 =	sshrl.u32 @!p1 s15, $0xD;
	s13 =	sadd.s32 @!p1 $0xFFF0BE40, s13  }
0x18: {  	s15 =	sxor.u32 @!p1 $0xFFFFFFFF, s10;
	s14 =	smul.u32 @!p1 $0xF4240, s14;
	s16 =	sshll.u32 @!p1 s13, $0x7  }
0x19: {  	s15 =	sshll.u32 @!p1 s15, $0xC;
	p2 =	sgt.s32 @!p1 s13, $0x7F;
	s13 =	ssub.s32 @!p1 $0x4000, s16  }
0x1a: {  	s12 =	ssub.s32 @!p1 s12, s14;
	p2 =	por !p2, p1;
	s14 =	sand.u32 @!p1 $0x1000, s15  }
0x1b: {  	s15 =	simm.s32 @!p1 $0x20;
	s13 =	sshrl.u32 @!p1 s13, $0x2;
	s12 =	sshll.u32 @!p1 s12, $0x4  }
0x1c: {  	s16 =	simm.s32 @!p1 $0x80;
	s13 =	simm.s32 @!p2 $0x0;
	s12 =	sadd.s32 @!p1 s4, s12  }
0x1d: {  	[tilespmem:s14], [sflag:$0x1] =	stream.strided.gather @!p1 [hbm4b:s12+s15], s13, s16, s15, $0x38;
	[tilespmem:$0x4040] =	vst v63  }
0x1e: {  	p1 =	seq.s32 s10, $0x0  }
0x1f: {  	p2 =	sge.u32 @!p1 s10, s7  }
0x20: {  	p1 =	por p1, p2  }
.Ltmp2:
0x21: {  	_ = 	snop;
	(pc) =	sbr.rel @p1 .LBB1_5-.Ltmp2, $1  }
0x22: {  	_ =	sdelay $0x3  }
0x23: {  	p1 =	sgt.s32 s11, $0xF41C0;
	s12 =	smov.u32 s11;
	s13 =	sshra.s32 s11, $0x1F  }
0x24: {  	s12 =	simm.s32 @!p1 $0xF41C0;
	s13 =	sand.u32 s13, s11  }
0x25: {  	s12 =	ssub.s32 s12, s13  }
0x26: {  	s12 =	sadd.s32 $0xFFF0BE40, s12  }
0x27: {  	s28 =	sshll.u32 s12, $0x7  }
0x28: {  	s13 =	ssub.s32 $0x4000, s28  }
0x29: {  	p1 =	sgt.s32 s12, $0x7F;
	s12 =	sshrl.u32 s13, $0x2  }
0x2a: {  	s13 =	simm.s32 $0x1;
	s12 =	simm.s32 @p1 $0x0  }
0x2b: {  	s13 =	simm.s32 @!p0 $0x0;
	_ =	swait.ge [sflag:s5], s12  }
0x2c: {  	s14 =	sshll.u32 s13, $0xC;
	s12 =	ssub.s32 $0x0, s12;
	[sflag:s5] =	ssyncset.done $0x0  }
0x2d: {  	s16 =	sor.u32 $0x10, s14;
	[sflag:s5] =	ssyncadd.s32 s12  }
0x2e: {  	s29 =	smul.u32 $0x4080, s13;
	v1 =	vld [tilespmem:s16+$0x0]  }
0x2f: {  	s30 =	sand.u32 $0x1, s10;
	v0 =	vld [tilespmem:s16+$0xFFFFFFF0]  }
0x30: {  	s13 =	smul.u32 $0x4080, s30;
	s12 =	sshrl.u32 s29, $0x2  }
0x31: {  	s14 =	sor.u32 $0x2000, s12  }
0x32: {  	s31 =	sshrl.u32 s13, $0x2;
	s13 =	sadd.s32 $0x0, s14  }
0x33: {  	s15 =	simm.s32 $0x4;
	s12 =	sor.u32 $0x2000, s31;
	s16 =	sadd.s32 $0x20, s16;
	[tilespmem:s13+$0x810 ss:$0x81] =	vst.msk $0xffff, v1  }
.LBB1_3:
0x34: {  	v1 =	vld [tilespmem:s16+$0x0];
	p1 =	sne.s32 s15, $0x1FC;
	[tilespmem:s13+$0x0 ss:$0x81] =	vst.msk $0xffff, v0;
	s13 =	smov.u32 s15;
	s15 =	sadd.s32 $0x4, s15  }
.Ltmp3:
0x35: {  	v0 =	vld [tilespmem:s16+$0xFFFFFFF0];
	(pc) =	sbr.rel @p1 .LBB1_3-.Ltmp3, $4  }
0x36: {  	_ = 	snop  }
0x37: {  	s13 =	sshra.s32 s13, $0x2  }
0x38: {  	s13 =	sadd.s32 s13, s14  }
0x39: {  	s16 =	sadd.s32 $0x20, s16;
	[tilespmem:s13+$0x810 ss:$0x81] =	vst.msk $0xffff, v1  }
0x3a: {  	s14 =	sshll.u32 s11, $0x3  }
0x3b: {  	s30 =	sand.u32 $0x7F, s11;
	s14 =	sand.u32 $0xFFFFFC00, s14  }
0x3c: {  	s11 =	sor.u32 s30, s14  }
0x3d: {  	s15 =	smulhi.u32 $0x218D6287, s11;
	_ =	sdelay $0x1  }
0x3e: {  	s14 =	smulhi.u32 $0x218D6287, s14;
	s15 =	sshrl.u32 s15, $0x11  }
0x3f: {  	s15 =	smul.u32 $0xF4280, s15  }
0x40: {  	s14 =	sshrl.u32 s14, $0x11  }
.Ltmp4:
0x41: {  	s14 =	sand.u32 $0x1F, s14;
	s11 =	ssub.s32 s11, s15;
	(pc) =	sbr.rel .LBB1_5-.Ltmp4, $4  }
0x42: {  	s14 =	smul.u32 $0x1E850, s14;
	s15 =	sshrl.u32 s11, $0x3;
	s11 =	sand.u32 $0x7, s11  }
0x43: {  	s15 =	sadd.s32 s2, s15;
	s11 =	sshll.u32 s11, $0x12  }
0x44: {  	[tilespmem:s13+$0x0 ss:$0x81] =	vst.msk $0xffff, v0;
	s31 =	sadd.s32 s14, s15;
	s11 =	sor.u32 $0x400, s11  }
0x45: {  	[hbm4b:s31+s11] =	stream.strided.scatter [tilespmem:s12], [sflag:$0x2], $0x1000, s8, s11, $0x20;
	[tilespmem:$0x4040] =	vst v63  }
.LBB1_6:
0x46: {  	_ =	sfence.sel $0x180000  }
0x47: {  	s2 =	simm.s32 $0x1;
	[bflag:$0x0] =	sbarrier.arrive $0xFFFF  }
0x48: {  	s31 =	simm.s32 $0x2;
	[sflag:s2] =	ssyncpa.u1 $0x1  }
0x49: {  	[sflag:s31] =	ssyncpa.u1 $0x1  }
0x4a: {  	p0 =	sne.s32 s1, $0x0;
	_ =	strace $0x9000004A  }
0x4b: {  	s0 =	sadd.s32 @!p0 $0x100000, s0;
	[bflag:$0x2] =	sbarrier.arrive $0xFFFF  }
0x4c: {  	[sflag:s0] =	ssyncadd.tile.s32 @!p0 $0x1;
	_ =	shalt  }
.Lfunc_end1:
_tile_overlayer_lowered:
.L_overlay_start_2:
0x4d: {  	(tag) =	ssettag $0x2  }
0x4e: {  	s0 =	rddreg [dreg:$0x0];
	s2 =	stileid.u32  }
0x4f: {  	s1 =	rddreg [dreg:$0x1];
	p0 =	sne.s32 s2, $0x0  }
0x50: {  	s3 =	rddreg [dreg:$0x2];
	[bflag:$0x3] =	sbarrier.arrive $0xFFFF;
	s2 =	simm.s32 @!p0 $0x1C01  }
0x51: {  	[timem:s3], [sflag:s2] =	dma.local @!p0 [hbm:s0], s1  }
0x52: {  	s0 =	simm.s32 @!p0 $0x1  }
0x53: {  	_ =	swait.ge @!p0 [sflag:s0], s1  }
0x54: {  	s1 =	ssub.s32 @!p0 $0x0, s1;
	[sflag:s0] =	ssyncset.done @!p0 $0x0  }
0x55: {  	[sflag:s0] =	ssyncadd.s32 @!p0 s1  }
0x56: {  	[bflag:$0x3] =	sbarrier.arrive $0xFFFF  }
0x57: {  	_ =	shalt  }

</sc_bundles>
